<compile_context>
chip_gen: v7x
topology: tpu7x:2x2x1
jax: 0.10.2.dev20260603
libtpu: 0.0.44.dev20260713+nightly
codegen_flags: <defaults>
</compile_context>

<pallas_src>
import functools

import jax
import jax.numpy as jnp
from jax import lax
from jax.experimental import pallas as pl
from jax.experimental.pallas import tpu as pltpu
from jax.experimental.pallas import tpu_sc as plsc

_BATCH = 4096
_HIST = 200
_D = 64
_B = _BATCH * _HIST

_NC = 2
_NS = 16
_NW = _NC * _NS
_B_PER_W = _B // _NW

_CHUNK = 512
_NBUF = 2
assert _B_PER_W % (_CHUNK * _NBUF) == 0

_M = _BATCH
_N = _HIST * _D
_BM = 512
_BN = 512


def _gather_kernel(table_hbm, idx_hbm, out_hbm, idx_v, rows_v, in_sems, g_sems, out_sems):
    wid = lax.axis_index("s") * _NC + lax.axis_index("c")
    base = wid * _B_PER_W
    ngroup = _B_PER_W // (_CHUNK * _NBUF)

    def group(g, carry):
        goff = base + g * (_CHUNK * _NBUF)

        @pl.when(g > 0)
        def _():
            for b in range(_NBUF):
                pltpu.make_async_copy(
                    rows_v.at[b], out_hbm.at[pl.ds(0, _CHUNK)], out_sems.at[b]
                ).wait()

        idx_handles = []
        for b in range(_NBUF):
            off = pl.multiple_of(goff + b * _CHUNK, _CHUNK)
            idx_handles.append(
                pltpu.async_copy(idx_hbm.at[pl.ds(off, _CHUNK)], idx_v.at[b], in_sems.at[b])
            )
        g_handles = []
        for b in range(_NBUF):
            idx_handles[b].wait()
            g_handles.append(
                pltpu.async_copy(table_hbm.at[idx_v.at[b]], rows_v.at[b], g_sems.at[b])
            )
        for b in range(_NBUF):
            off = pl.multiple_of(goff + b * _CHUNK, _CHUNK)
            g_handles[b].wait()
            pltpu.async_copy(rows_v.at[b], out_hbm.at[pl.ds(off, _CHUNK)], out_sems.at[b])
        return carry

    lax.fori_loop(0, ngroup, group, 0)

    for b in range(_NBUF):
        pltpu.make_async_copy(
            rows_v.at[b], out_hbm.at[pl.ds(0, _CHUNK)], out_sems.at[b]
        ).wait()


def _transpose_kernel(x_ref, o_ref):
    o_ref[...] = x_ref[...].T


@jax.jit
def _run(indices, table):
    idx_flat = indices.reshape(_B).astype(jnp.int32)
    mesh = plsc.VectorSubcoreMesh(core_axis_name="c", subcore_axis_name="s")
    gather = functools.partial(
        pl.kernel,
        out_type=jax.ShapeDtypeStruct((_B, _D), jnp.float32),
        mesh=mesh,
        scratch_types=[
            pltpu.VMEM((_NBUF, _CHUNK), jnp.int32),
            pltpu.VMEM((_NBUF, _CHUNK, _D), jnp.float32),
            pltpu.SemaphoreType.DMA((_NBUF,)),
            pltpu.SemaphoreType.DMA((_NBUF,)),
            pltpu.SemaphoreType.DMA((_NBUF,)),
        ],
        compiler_params=pltpu.CompilerParams(use_tc_tiling_on_sc=False),
    )(_gather_kernel)
    flat = gather(table, idx_flat)

    x2 = flat.reshape(_M, _N)
    out2 = pl.pallas_call(
        _transpose_kernel,
        grid=(_M // _BM, _N // _BN),
        in_specs=[pl.BlockSpec((_BM, _BN), lambda i, j: (i, j))],
        out_specs=pl.BlockSpec((_BN, _BM), lambda i, j: (j, i)),
        out_shape=jax.ShapeDtypeStruct((_N, _M), jnp.float32),
    )(x2)
    out3 = out2.reshape(_HIST, _D, _BATCH)
    return jnp.transpose(out3, (2, 0, 1))


def kernel(indices, table):
    return _run(indices, table)

# --- scband reference (transcript-rebuilt; emitter-appended) ---
"""Pipeline reference for scband-base-model-58703613002154 (READ-ONLY COPY).

The authoritative reference and input builder live on the scoring server;
editing this copy changes nothing except your own understanding.
"""

import jax, jax.numpy as jnp
import numpy as np

NUM_EVENT_TYPES_PAD = 100001
EVENT_PAD_INDEX = 100000
HIDDEN_SIZE = 64
BATCH = 4096
HIST_LEN = 200


def setup_inputs(seed: int = 0) -> dict:
    key = jax.random.key(seed)
    k1, k2 = jax.random.split(key)
    indices = jax.random.randint(k1, (BATCH, HIST_LEN), 0, NUM_EVENT_TYPES_PAD)
    table = jax.random.normal(k2, (NUM_EVENT_TYPES_PAD, HIDDEN_SIZE), dtype=jnp.float32)
    # nn.Embedding with padding_idx initializes the pad row to zeros
    table = table.at[EVENT_PAD_INDEX].set(0.0)
    return {"indices": indices, "table": table}


def reference(indices, table):
    # Faithful translation of self.layer_event_emb(indices):
    # embedding lookup (gather rows of the table by index).
    return jnp.take(table, indices, axis=0)

if __name__ == "__main__":
    import jax
    _d = setup_inputs()
    print(jax.jit(kernel)(*tuple(_d.values())))

</pallas_src>

<mosaic_0001>
#map = affine_map<(d0, d1) -> (0, 0)>
#map1 = affine_map<(d0, d1) -> (0)>
module attributes {stable_mosaic.version = 14 : i64} {
  func.func @_gather_kernel(%arg0: i32, %arg1: i32, %arg2: memref<100001x64xf32, #tpu.memory_space<hbm>>, %arg3: memref<819200xi32, #tpu.memory_space<hbm>>, %arg4: memref<819200x64xf32, #tpu.memory_space<hbm>>, %arg5: memref<2x512xi32, #tpu.memory_space<vmem>>, %arg6: memref<2x512x64xf32, #tpu.memory_space<vmem>>, %arg7: memref<2x!tpu.dma_semaphore, #tpu.memory_space<semaphore_mem>>, %arg8: memref<2x!tpu.dma_semaphore, #tpu.memory_space<semaphore_mem>>, %arg9: memref<2x!tpu.dma_semaphore, #tpu.memory_space<semaphore_mem>>) attributes {dimension_semantics = [#tpu.dimension_semantics<core_parallel>, #tpu.dimension_semantics<subcore_parallel>], iteration_bounds = array<i64: 2, 16>, scalar_prefetch = 0 : i64, scratch_operands = 5 : i64, tpu.core_type = #tpu.core_type<sc_vector_subcore>, window_params = [{transform_indices = #map}, {transform_indices = #map1}, {transform_indices = #map}]} {
    %mul3A = arith.constant 2 : i32
    %mul3A_0 = arith.muli %arg1, %mul3A : i32
    %add3A = arith.addi %mul3A_0, %arg0 : i32
    %mul3A_1 = arith.constant 25600 : i32
    %mul3A_2 = arith.muli %add3A, %mul3A_1 : i32
    %scan3A = arith.constant 0 : i32
    %scan3A_3 = arith.constant 0 : i32
    %scan3A_4 = arith.constant 25 : i32
    %scan3A_5 = arith.addi %scan3A_3, %scan3A_4 : i32
    %scan3A_6 = arith.constant 1 : i32
    scf.for %scan3A_43 = %scan3A_3 to %scan3A_5 step %scan3A_6  : i32 {
      %mul3A_44 = arith.constant 1024 : i32
      %mul3A_45 = arith.muli %scan3A_43, %mul3A_44 : i32
      %add3A_46 = arith.addi %mul3A_2, %mul3A_45 : i32
      %gt3A = arith.constant 0 : i32
      %gt3A_47 = arith.cmpi sgt, %scan3A_43, %gt3A : i32
      %convert_element_type3A = arith.extui %gt3A_47 : i1 to i32
      %cond3A = arith.constant 0 : i32
      %cond3A_48 = arith.cmpi ne, %convert_element_type3A, %cond3A : i32
      scf.if %cond3A_48 {
        %dma_wait3A_199 = arith.constant 0 : i32
        %dma_wait3A_200 = arith.constant 0 : i32
        %dma_wait3A_201 = arith.constant 0 : i32
        %dma_wait3A_202 = arith.constant 0 : i32
        %dma_wait3A_203 = tpu.memref_slice %arg6[%dma_wait3A_199, %dma_wait3A_201, %dma_wait3A_202] : memref<2x512x64xf32, #tpu.memory_space<vmem>> -> memref<1x512x64xf32, #tpu.memory_space<vmem>>
        %dma_wait3A_204 = tpu.memref_squeeze %dma_wait3A_203 : memref<1x512x64xf32, #tpu.memory_space<vmem>> -> memref<512x64xf32, #tpu.memory_space<vmem>>
        %dma_wait3A_205 = arith.constant 0 : i32
        %dma_wait3A_206 = arith.constant 0 : i32
        %dma_wait3A_207 = tpu.memref_slice %arg4[%dma_wait3A_205, %dma_wait3A_206] : memref<819200x64xf32, #tpu.memory_space<hbm>> -> memref<512x64xf32, #tpu.memory_space<hbm>>
        %dma_wait3A_208 = tpu.memref_slice %arg9[%dma_wait3A_200] : memref<2x!tpu.dma_semaphore, #tpu.memory_space<semaphore_mem>> -> memref<1x!tpu.dma_semaphore, #tpu.memory_space<semaphore_mem>>
        %dma_wait3A_209 = tpu.memref_squeeze %dma_wait3A_208 : memref<1x!tpu.dma_semaphore, #tpu.memory_space<semaphore_mem>> -> memref<!tpu.dma_semaphore, #tpu.memory_space<semaphore_mem>>
        %dma_wait3A_210 = arith.constant 0 : i32
        %dma_wait3A_211 = arith.constant 0 : i32
        %dma_wait3A_212 = tpu.memref_slice %arg4[%dma_wait3A_210, %dma_wait3A_211] : memref<819200x64xf32, #tpu.memory_space<hbm>> -> memref<512x64xf32, #tpu.memory_space<hbm>>
        %dma_wait3A_213 = arith.constant 0 : i32
        %dma_wait3A_214 = arith.constant 0 : i32
        %dma_wait3A_215 = tpu.memref_slice %arg6[%dma_wait3A_199, %dma_wait3A_213, %dma_wait3A_214] : memref<2x512x64xf32, #tpu.memory_space<vmem>> -> memref<1x512x64xf32, #tpu.memory_space<vmem>>
        %dma_wait3A_216 = tpu.memref_squeeze %dma_wait3A_215 : memref<1x512x64xf32, #tpu.memory_space<vmem>> -> memref<512x64xf32, #tpu.memory_space<vmem>>
        tpu.wait_dma2 semaphore(%dma_wait3A_209 : memref<!tpu.dma_semaphore, #tpu.memory_space<semaphore_mem>>) src(%dma_wait3A_216 : memref<512x64xf32, #tpu.memory_space<vmem>>) dst(%dma_wait3A_212 : memref<512x64xf32, #tpu.memory_space<hbm>>)
        %dma_wait3A_217 = arith.constant 1 : i32
        %dma_wait3A_218 = arith.constant 1 : i32
        %dma_wait3A_219 = arith.constant 0 : i32
        %dma_wait3A_220 = arith.constant 0 : i32
        %dma_wait3A_221 = tpu.memref_slice %arg6[%dma_wait3A_217, %dma_wait3A_219, %dma_wait3A_220] : memref<2x512x64xf32, #tpu.memory_space<vmem>> -> memref<1x512x64xf32, #tpu.memory_space<vmem>>
        %dma_wait3A_222 = tpu.memref_squeeze %dma_wait3A_221 : memref<1x512x64xf32, #tpu.memory_space<vmem>> -> memref<512x64xf32, #tpu.memory_space<vmem>>
        %dma_wait3A_223 = arith.constant 0 : i32
        %dma_wait3A_224 = arith.constant 0 : i32
        %dma_wait3A_225 = tpu.memref_slice %arg4[%dma_wait3A_223, %dma_wait3A_224] : memref<819200x64xf32, #tpu.memory_space<hbm>> -> memref<512x64xf32, #tpu.memory_space<hbm>>
        %dma_wait3A_226 = tpu.memref_slice %arg9[%dma_wait3A_218] : memref<2x!tpu.dma_semaphore, #tpu.memory_space<semaphore_mem>> -> memref<1x!tpu.dma_semaphore, #tpu.memory_space<semaphore_mem>>
        %dma_wait3A_227 = tpu.memref_squeeze %dma_wait3A_226 : memref<1x!tpu.dma_semaphore, #tpu.memory_space<semaphore_mem>> -> memref<!tpu.dma_semaphore, #tpu.memory_space<semaphore_mem>>
        %dma_wait3A_228 = arith.constant 0 : i32
        %dma_wait3A_229 = arith.constant 0 : i32
        %dma_wait3A_230 = tpu.memref_slice %arg4[%dma_wait3A_228, %dma_wait3A_229] : memref<819200x64xf32, #tpu.memory_space<hbm>> -> memref<512x64xf32, #tpu.memory_space<hbm>>
        %dma_wait3A_231 = arith.constant 0 : i32
        %dma_wait3A_232 = arith.constant 0 : i32
        %dma_wait3A_233 = tpu.memref_slice %arg6[%dma_wait3A_217, %dma_wait3A_231, %dma_wait3A_232] : memref<2x512x64xf32, #tpu.memory_space<vmem>> -> memref<1x512x64xf32, #tpu.memory_space<vmem>>
        %dma_wait3A_234 = tpu.memref_squeeze %dma_wait3A_233 : memref<1x512x64xf32, #tpu.memory_space<vmem>> -> memref<512x64xf32, #tpu.memory_space<vmem>>
        tpu.wait_dma2 semaphore(%dma_wait3A_227 : memref<!tpu.dma_semaphore, #tpu.memory_space<semaphore_mem>>) src(%dma_wait3A_234 : memref<512x64xf32, #tpu.memory_space<vmem>>) dst(%dma_wait3A_230 : memref<512x64xf32, #tpu.memory_space<hbm>>)
      } else {
      }
      %add3A_49 = arith.constant 0 : i32
      %add3A_50 = arith.addi %add3A_46, %add3A_49 : i32
      %multiple_of3A = tpu.assume_multiple %add3A_50, 512 : i32
      %dma_start3A = arith.constant 0 : i32
      %dma_start3A_51 = arith.constant 0 : i32
      %dma_start3A_52 = arith.constant 0 : i32
      %dma_start3A_53 = tpu.memref_slice %arg5[%dma_start3A, %dma_start3A_52] : memref<2x512xi32, #tpu.memory_space<vmem>> -> memref<1x512xi32, #tpu.memory_space<vmem>>
      %dma_start3A_54 = tpu.memref_squeeze %dma_start3A_53 : memref<1x512xi32, #tpu.memory_space<vmem>> -> memref<512xi32, #tpu.memory_space<vmem>>
      %dma_start3A_55 = tpu.memref_slice %arg3[%multiple_of3A] : memref<819200xi32, #tpu.memory_space<hbm>> -> memref<512xi32, #tpu.memory_space<hbm>>
      %dma_start3A_56 = tpu.memref_slice %arg7[%dma_start3A_51] : memref<2x!tpu.dma_semaphore, #tpu.memory_space<semaphore_mem>> -> memref<1x!tpu.dma_semaphore, #tpu.memory_space<semaphore_mem>>
      %dma_start3A_57 = tpu.memref_squeeze %dma_start3A_56 : memref<1x!tpu.dma_semaphore, #tpu.memory_space<semaphore_mem>> -> memref<!tpu.dma_semaphore, #tpu.memory_space<semaphore_mem>>
      %dma_start3A_58 = arith.constant 0 : i32
      %dma_start3A_59 = tpu.memref_slice %arg5[%dma_start3A, %dma_start3A_58] : memref<2x512xi32, #tpu.memory_space<vmem>> -> memref<1x512xi32, #tpu.memory_space<vmem>>
      %dma_start3A_60 = tpu.memref_squeeze %dma_start3A_59 : memref<1x512xi32, #tpu.memory_space<vmem>> -> memref<512xi32, #tpu.memory_space<vmem>>
      %dma_start3A_61 = tpu.memref_slice %arg3[%multiple_of3A] : memref<819200xi32, #tpu.memory_space<hbm>> -> memref<512xi32, #tpu.memory_space<hbm>>
      tpu.enqueue_dma source(%dma_start3A_61 : memref<512xi32, #tpu.memory_space<hbm>>) target(%dma_start3A_60 : memref<512xi32, #tpu.memory_space<vmem>>) target_semaphore(%dma_start3A_57 : memref<!tpu.dma_semaphore, #tpu.memory_space<semaphore_mem>>)
      %add3A_62 = arith.constant 512 : i32
      %add3A_63 = arith.addi %add3A_46, %add3A_62 : i32
      %multiple_of3A_64 = tpu.assume_multiple %add3A_63, 512 : i32
      %dma_start3A_65 = arith.constant 1 : i32
      %dma_start3A_66 = arith.constant 1 : i32
      %dma_start3A_67 = arith.constant 0 : i32
      %dma_start3A_68 = tpu.memref_slice %arg5[%dma_start3A_65, %dma_start3A_67] : memref<2x512xi32, #tpu.memory_space<vmem>> -> memref<1x512xi32, #tpu.memory_space<vmem>>
      %dma_start3A_69 = tpu.memref_squeeze %dma_start3A_68 : memref<1x512xi32, #tpu.memory_space<vmem>> -> memref<512xi32, #tpu.memory_space<vmem>>
      %dma_start3A_70 = tpu.memref_slice %arg3[%multiple_of3A_64] : memref<819200xi32, #tpu.memory_space<hbm>> -> memref<512xi32, #tpu.memory_space<hbm>>
      %dma_start3A_71 = tpu.memref_slice %arg7[%dma_start3A_66] : memref<2x!tpu.dma_semaphore, #tpu.memory_space<semaphore_mem>> -> memref<1x!tpu.dma_semaphore, #tpu.memory_space<semaphore_mem>>
      %dma_start3A_72 = tpu.memref_squeeze %dma_start3A_71 : memref<1x!tpu.dma_semaphore, #tpu.memory_space<semaphore_mem>> -> memref<!tpu.dma_semaphore, #tpu.memory_space<semaphore_mem>>
      %dma_start3A_73 = arith.constant 0 : i32
      %dma_start3A_74 = tpu.memref_slice %arg5[%dma_start3A_65, %dma_start3A_73] : memref<2x512xi32, #tpu.memory_space<vmem>> -> memref<1x512xi32, #tpu.memory_space<vmem>>
      %dma_start3A_75 = tpu.memref_squeeze %dma_start3A_74 : memref<1x512xi32, #tpu.memory_space<vmem>> -> memref<512xi32, #tpu.memory_space<vmem>>
      %dma_start3A_76 = tpu.memref_slice %arg3[%multiple_of3A_64] : memref<819200xi32, #tpu.memory_space<hbm>> -> memref<512xi32, #tpu.memory_space<hbm>>
      tpu.enqueue_dma source(%dma_start3A_76 : memref<512xi32, #tpu.memory_space<hbm>>) target(%dma_start3A_75 : memref<512xi32, #tpu.memory_space<vmem>>) target_semaphore(%dma_start3A_72 : memref<!tpu.dma_semaphore, #tpu.memory_space<semaphore_mem>>)
      %dma_wait3A_77 = arith.constant 0 : i32
      %dma_wait3A_78 = arith.constant 0 : i32
      %dma_wait3A_79 = arith.constant 0 : i32
      %dma_wait3A_80 = tpu.memref_slice %arg5[%dma_wait3A_77, %dma_wait3A_79] : memref<2x512xi32, #tpu.memory_space<vmem>> -> memref<1x512xi32, #tpu.memory_space<vmem>>
      %dma_wait3A_81 = tpu.memref_squeeze %dma_wait3A_80 : memref<1x512xi32, #tpu.memory_space<vmem>> -> memref<512xi32, #tpu.memory_space<vmem>>
      %dma_wait3A_82 = tpu.memref_slice %arg3[%multiple_of3A] : memref<819200xi32, #tpu.memory_space<hbm>> -> memref<512xi32, #tpu.memory_space<hbm>>
      %dma_wait3A_83 = tpu.memref_slice %arg7[%dma_wait3A_78] : memref<2x!tpu.dma_semaphore, #tpu.memory_space<semaphore_mem>> -> memref<1x!tpu.dma_semaphore, #tpu.memory_space<semaphore_mem>>
      %dma_wait3A_84 = tpu.memref_squeeze %dma_wait3A_83 : memref<1x!tpu.dma_semaphore, #tpu.memory_space<semaphore_mem>> -> memref<!tpu.dma_semaphore, #tpu.memory_space<semaphore_mem>>
      %dma_wait3A_85 = arith.constant 0 : i32
      %dma_wait3A_86 = tpu.memref_slice %arg5[%dma_wait3A_77, %dma_wait3A_85] : memref<2x512xi32, #tpu.memory_space<vmem>> -> memref<1x512xi32, #tpu.memory_space<vmem>>
      %dma_wait3A_87 = tpu.memref_squeeze %dma_wait3A_86 : memref<1x512xi32, #tpu.memory_space<vmem>> -> memref<512xi32, #tpu.memory_space<vmem>>
      %dma_wait3A_88 = tpu.memref_slice %arg3[%multiple_of3A] : memref<819200xi32, #tpu.memory_space<hbm>> -> memref<512xi32, #tpu.memory_space<hbm>>
      tpu.wait_dma2 semaphore(%dma_wait3A_84 : memref<!tpu.dma_semaphore, #tpu.memory_space<semaphore_mem>>) src(%dma_wait3A_88 : memref<512xi32, #tpu.memory_space<hbm>>) dst(%dma_wait3A_87 : memref<512xi32, #tpu.memory_space<vmem>>)
      %dma_start3A_89 = arith.constant 0 : i32
      %dma_start3A_90 = arith.constant 0 : i32
      %dma_start3A_91 = arith.constant 0 : i32
      %dma_start3A_92 = arith.constant 0 : i32
      %dma_start3A_93 = arith.constant 0 : i32
      %dma_start3A_94 = tpu.memref_slice %arg6[%dma_start3A_90, %dma_start3A_92, %dma_start3A_93] : memref<2x512x64xf32, #tpu.memory_space<vmem>> -> memref<1x512x64xf32, #tpu.memory_space<vmem>>
      %dma_start3A_95 = tpu.memref_squeeze %dma_start3A_94 : memref<1x512x64xf32, #tpu.memory_space<vmem>> -> memref<512x64xf32, #tpu.memory_space<vmem>>
      %dma_start3A_96 = arith.constant 0 : i32
      %dma_start3A_97 = tpu.memref_slice %arg5[%dma_start3A_89, %dma_start3A_96] : memref<2x512xi32, #tpu.memory_space<vmem>> -> memref<1x512xi32, #tpu.memory_space<vmem>>
      %dma_start3A_98 = tpu.memref_squeeze %dma_start3A_97 : memref<1x512xi32, #tpu.memory_space<vmem>> -> memref<512xi32, #tpu.memory_space<vmem>>
      %dma_start3A_99 = arith.constant 0 : i32
      %dma_start3A_100 = arith.constant 0 : i32
      %dma_start3A_101 = tpu.memref_slice %arg2[%dma_start3A_99, %dma_start3A_100] : memref<100001x64xf32, #tpu.memory_space<hbm>> -> memref<100001x64xf32, #tpu.memory_space<hbm>>
      %dma_start3A_102 = tpu.memref_slice %arg8[%dma_start3A_91] : memref<2x!tpu.dma_semaphore, #tpu.memory_space<semaphore_mem>> -> memref<1x!tpu.dma_semaphore, #tpu.memory_space<semaphore_mem>>
      %dma_start3A_103 = tpu.memref_squeeze %dma_start3A_102 : memref<1x!tpu.dma_semaphore, #tpu.memory_space<semaphore_mem>> -> memref<!tpu.dma_semaphore, #tpu.memory_space<semaphore_mem>>
      tpu.enqueue_indirect_dma source(%dma_start3A_101 : memref<100001x64xf32, #tpu.memory_space<hbm>>) target(%dma_start3A_95 : memref<512x64xf32, #tpu.memory_space<vmem>>) offsets(%dma_start3A_98 : memref<512xi32, #tpu.memory_space<vmem>>) semaphore(%dma_start3A_103 : memref<!tpu.dma_semaphore, #tpu.memory_space<semaphore_mem>>)
      %dma_wait3A_104 = arith.constant 1 : i32
      %dma_wait3A_105 = arith.constant 1 : i32
      %dma_wait3A_106 = arith.constant 0 : i32
      %dma_wait3A_107 = tpu.memref_slice %arg5[%dma_wait3A_104, %dma_wait3A_106] : memref<2x512xi32, #tpu.memory_space<vmem>> -> memref<1x512xi32, #tpu.memory_space<vmem>>
      %dma_wait3A_108 = tpu.memref_squeeze %dma_wait3A_107 : memref<1x512xi32, #tpu.memory_space<vmem>> -> memref<512xi32, #tpu.memory_space<vmem>>
      %dma_wait3A_109 = tpu.memref_slice %arg3[%multiple_of3A_64] : memref<819200xi32, #tpu.memory_space<hbm>> -> memref<512xi32, #tpu.memory_space<hbm>>
      %dma_wait3A_110 = tpu.memref_slice %arg7[%dma_wait3A_105] : memref<2x!tpu.dma_semaphore, #tpu.memory_space<semaphore_mem>> -> memref<1x!tpu.dma_semaphore, #tpu.memory_space<semaphore_mem>>
      %dma_wait3A_111 = tpu.memref_squeeze %dma_wait3A_110 : memref<1x!tpu.dma_semaphore, #tpu.memory_space<semaphore_mem>> -> memref<!tpu.dma_semaphore, #tpu.memory_space<semaphore_mem>>
      %dma_wait3A_112 = arith.constant 0 : i32
      %dma_wait3A_113 = tpu.memref_slice %arg5[%dma_wait3A_104, %dma_wait3A_112] : memref<2x512xi32, #tpu.memory_space<vmem>> -> memref<1x512xi32, #tpu.memory_space<vmem>>
      %dma_wait3A_114 = tpu.memref_squeeze %dma_wait3A_113 : memref<1x512xi32, #tpu.memory_space<vmem>> -> memref<512xi32, #tpu.memory_space<vmem>>
      %dma_wait3A_115 = tpu.memref_slice %arg3[%multiple_of3A_64] : memref<819200xi32, #tpu.memory_space<hbm>> -> memref<512xi32, #tpu.memory_space<hbm>>
      tpu.wait_dma2 semaphore(%dma_wait3A_111 : memref<!tpu.dma_semaphore, #tpu.memory_space<semaphore_mem>>) src(%dma_wait3A_115 : memref<512xi32, #tpu.memory_space<hbm>>) dst(%dma_wait3A_114 : memref<512xi32, #tpu.memory_space<vmem>>)
      %dma_start3A_116 = arith.constant 1 : i32
      %dma_start3A_117 = arith.constant 1 : i32
      %dma_start3A_118 = arith.constant 1 : i32
      %dma_start3A_119 = arith.constant 0 : i32
      %dma_start3A_120 = arith.constant 0 : i32
      %dma_start3A_121 = tpu.memref_slice %arg6[%dma_start3A_117, %dma_start3A_119, %dma_start3A_120] : memref<2x512x64xf32, #tpu.memory_space<vmem>> -> memref<1x512x64xf32, #tpu.memory_space<vmem>>
      %dma_start3A_122 = tpu.memref_squeeze %dma_start3A_121 : memref<1x512x64xf32, #tpu.memory_space<vmem>> -> memref<512x64xf32, #tpu.memory_space<vmem>>
      %dma_start3A_123 = arith.constant 0 : i32
      %dma_start3A_124 = tpu.memref_slice %arg5[%dma_start3A_116, %dma_start3A_123] : memref<2x512xi32, #tpu.memory_space<vmem>> -> memref<1x512xi32, #tpu.memory_space<vmem>>
      %dma_start3A_125 = tpu.memref_squeeze %dma_start3A_124 : memref<1x512xi32, #tpu.memory_space<vmem>> -> memref<512xi32, #tpu.memory_space<vmem>>
      %dma_start3A_126 = arith.constant 0 : i32
      %dma_start3A_127 = arith.constant 0 : i32
      %dma_start3A_128 = tpu.memref_slice %arg2[%dma_start3A_126, %dma_start3A_127] : memref<100001x64xf32, #tpu.memory_space<hbm>> -> memref<100001x64xf32, #tpu.memory_space<hbm>>
      %dma_start3A_129 = tpu.memref_slice %arg8[%dma_start3A_118] : memref<2x!tpu.dma_semaphore, #tpu.memory_space<semaphore_mem>> -> memref<1x!tpu.dma_semaphore, #tpu.memory_space<semaphore_mem>>
      %dma_start3A_130 = tpu.memref_squeeze %dma_start3A_129 : memref<1x!tpu.dma_semaphore, #tpu.memory_space<semaphore_mem>> -> memref<!tpu.dma_semaphore, #tpu.memory_space<semaphore_mem>>
      tpu.enqueue_indirect_dma source(%dma_start3A_128 : memref<100001x64xf32, #tpu.memory_space<hbm>>) target(%dma_start3A_122 : memref<512x64xf32, #tpu.memory_space<vmem>>) offsets(%dma_start3A_125 : memref<512xi32, #tpu.memory_space<vmem>>) semaphore(%dma_start3A_130 : memref<!tpu.dma_semaphore, #tpu.memory_space<semaphore_mem>>)
      %add3A_131 = arith.constant 0 : i32
      %add3A_132 = arith.addi %add3A_46, %add3A_131 : i32
      %multiple_of3A_133 = tpu.assume_multiple %add3A_132, 512 : i32
      %dma_wait3A_134 = arith.constant 0 : i32
      %dma_wait3A_135 = arith.constant 0 : i32
      %dma_wait3A_136 = arith.constant 0 : i32
      %dma_wait3A_137 = arith.constant 0 : i32
      %dma_wait3A_138 = arith.constant 0 : i32
      %dma_wait3A_139 = tpu.memref_slice %arg6[%dma_wait3A_135, %dma_wait3A_137, %dma_wait3A_138] : memref<2x512x64xf32, #tpu.memory_space<vmem>> -> memref<1x512x64xf32, #tpu.memory_space<vmem>>
      %dma_wait3A_140 = tpu.memref_squeeze %dma_wait3A_139 : memref<1x512x64xf32, #tpu.memory_space<vmem>> -> memref<512x64xf32, #tpu.memory_space<vmem>>
      %dma_wait3A_141 = arith.constant 0 : i32
      %dma_wait3A_142 = tpu.memref_slice %arg5[%dma_wait3A_134, %dma_wait3A_141] : memref<2x512xi32, #tpu.memory_space<vmem>> -> memref<1x512xi32, #tpu.memory_space<vmem>>
      %dma_wait3A_143 = tpu.memref_squeeze %dma_wait3A_142 : memref<1x512xi32, #tpu.memory_space<vmem>> -> memref<512xi32, #tpu.memory_space<vmem>>
      %dma_wait3A_144 = arith.constant 0 : i32
      %dma_wait3A_145 = arith.constant 0 : i32
      %dma_wait3A_146 = tpu.memref_slice %arg2[%dma_wait3A_144, %dma_wait3A_145] : memref<100001x64xf32, #tpu.memory_space<hbm>> -> memref<100001x64xf32, #tpu.memory_space<hbm>>
      %dma_wait3A_147 = tpu.memref_slice %arg8[%dma_wait3A_136] : memref<2x!tpu.dma_semaphore, #tpu.memory_space<semaphore_mem>> -> memref<1x!tpu.dma_semaphore, #tpu.memory_space<semaphore_mem>>
      %dma_wait3A_148 = tpu.memref_squeeze %dma_wait3A_147 : memref<1x!tpu.dma_semaphore, #tpu.memory_space<semaphore_mem>> -> memref<!tpu.dma_semaphore, #tpu.memory_space<semaphore_mem>>
      tpu.wait_indirect_dma semaphore(%dma_wait3A_148 : memref<!tpu.dma_semaphore, #tpu.memory_space<semaphore_mem>>) src(%dma_wait3A_146 : memref<100001x64xf32, #tpu.memory_space<hbm>>) dst(%dma_wait3A_140 : memref<512x64xf32, #tpu.memory_space<vmem>>)
      %dma_start3A_149 = arith.constant 0 : i32
      %dma_start3A_150 = arith.constant 0 : i32
      %dma_start3A_151 = arith.constant 0 : i32
      %dma_start3A_152 = arith.constant 0 : i32
      %dma_start3A_153 = tpu.memref_slice %arg6[%dma_start3A_149, %dma_start3A_151, %dma_start3A_152] : memref<2x512x64xf32, #tpu.memory_space<vmem>> -> memref<1x512x64xf32, #tpu.memory_space<vmem>>
      %dma_start3A_154 = tpu.memref_squeeze %dma_start3A_153 : memref<1x512x64xf32, #tpu.memory_space<vmem>> -> memref<512x64xf32, #tpu.memory_space<vmem>>
      %dma_start3A_155 = arith.constant 0 : i32
      %dma_start3A_156 = tpu.memref_slice %arg4[%multiple_of3A_133, %dma_start3A_155] : memref<819200x64xf32, #tpu.memory_space<hbm>> -> memref<512x64xf32, #tpu.memory_space<hbm>>
      %dma_start3A_157 = tpu.memref_slice %arg9[%dma_start3A_150] : memref<2x!tpu.dma_semaphore, #tpu.memory_space<semaphore_mem>> -> memref<1x!tpu.dma_semaphore, #tpu.memory_space<semaphore_mem>>
      %dma_start3A_158 = tpu.memref_squeeze %dma_start3A_157 : memref<1x!tpu.dma_semaphore, #tpu.memory_space<semaphore_mem>> -> memref<!tpu.dma_semaphore, #tpu.memory_space<semaphore_mem>>
      %dma_start3A_159 = arith.constant 0 : i32
      %dma_start3A_160 = tpu.memref_slice %arg4[%multiple_of3A_133, %dma_start3A_159] : memref<819200x64xf32, #tpu.memory_space<hbm>> -> memref<512x64xf32, #tpu.memory_space<hbm>>
      %dma_start3A_161 = arith.constant 0 : i32
      %dma_start3A_162 = arith.constant 0 : i32
      %dma_start3A_163 = tpu.memref_slice %arg6[%dma_start3A_149, %dma_start3A_161, %dma_start3A_162] : memref<2x512x64xf32, #tpu.memory_space<vmem>> -> memref<1x512x64xf32, #tpu.memory_space<vmem>>
      %dma_start3A_164 = tpu.memref_squeeze %dma_start3A_163 : memref<1x512x64xf32, #tpu.memory_space<vmem>> -> memref<512x64xf32, #tpu.memory_space<vmem>>
      tpu.enqueue_dma source(%dma_start3A_164 : memref<512x64xf32, #tpu.memory_space<vmem>>) target(%dma_start3A_160 : memref<512x64xf32, #tpu.memory_space<hbm>>) target_semaphore(%dma_start3A_158 : memref<!tpu.dma_semaphore, #tpu.memory_space<semaphore_mem>>)
      %add3A_165 = arith.constant 512 : i32
      %add3A_166 = arith.addi %add3A_46, %add3A_165 : i32
      %multiple_of3A_167 = tpu.assume_multiple %add3A_166, 512 : i32
      %dma_wait3A_168 = arith.constant 1 : i32
      %dma_wait3A_169 = arith.constant 1 : i32
      %dma_wait3A_170 = arith.constant 1 : i32
      %dma_wait3A_171 = arith.constant 0 : i32
      %dma_wait3A_172 = arith.constant 0 : i32
      %dma_wait3A_173 = tpu.memref_slice %arg6[%dma_wait3A_169, %dma_wait3A_171, %dma_wait3A_172] : memref<2x512x64xf32, #tpu.memory_space<vmem>> -> memref<1x512x64xf32, #tpu.memory_space<vmem>>
      %dma_wait3A_174 = tpu.memref_squeeze %dma_wait3A_173 : memref<1x512x64xf32, #tpu.memory_space<vmem>> -> memref<512x64xf32, #tpu.memory_space<vmem>>
      %dma_wait3A_175 = arith.constant 0 : i32
      %dma_wait3A_176 = tpu.memref_slice %arg5[%dma_wait3A_168, %dma_wait3A_175] : memref<2x512xi32, #tpu.memory_space<vmem>> -> memref<1x512xi32, #tpu.memory_space<vmem>>
      %dma_wait3A_177 = tpu.memref_squeeze %dma_wait3A_176 : memref<1x512xi32, #tpu.memory_space<vmem>> -> memref<512xi32, #tpu.memory_space<vmem>>
      %dma_wait3A_178 = arith.constant 0 : i32
      %dma_wait3A_179 = arith.constant 0 : i32
      %dma_wait3A_180 = tpu.memref_slice %arg2[%dma_wait3A_178, %dma_wait3A_179] : memref<100001x64xf32, #tpu.memory_space<hbm>> -> memref<100001x64xf32, #tpu.memory_space<hbm>>
      %dma_wait3A_181 = tpu.memref_slice %arg8[%dma_wait3A_170] : memref<2x!tpu.dma_semaphore, #tpu.memory_space<semaphore_mem>> -> memref<1x!tpu.dma_semaphore, #tpu.memory_space<semaphore_mem>>
      %dma_wait3A_182 = tpu.memref_squeeze %dma_wait3A_181 : memref<1x!tpu.dma_semaphore, #tpu.memory_space<semaphore_mem>> -> memref<!tpu.dma_semaphore, #tpu.memory_space<semaphore_mem>>
      tpu.wait_indirect_dma semaphore(%dma_wait3A_182 : memref<!tpu.dma_semaphore, #tpu.memory_space<semaphore_mem>>) src(%dma_wait3A_180 : memref<100001x64xf32, #tpu.memory_space<hbm>>) dst(%dma_wait3A_174 : memref<512x64xf32, #tpu.memory_space<vmem>>)
      %dma_start3A_183 = arith.constant 1 : i32
      %dma_start3A_184 = arith.constant 1 : i32
      %dma_start3A_185 = arith.constant 0 : i32
      %dma_start3A_186 = arith.constant 0 : i32
      %dma_start3A_187 = tpu.memref_slice %arg6[%dma_start3A_183, %dma_start3A_185, %dma_start3A_186] : memref<2x512x64xf32, #tpu.memory_space<vmem>> -> memref<1x512x64xf32, #tpu.memory_space<vmem>>
      %dma_start3A_188 = tpu.memref_squeeze %dma_start3A_187 : memref<1x512x64xf32, #tpu.memory_space<vmem>> -> memref<512x64xf32, #tpu.memory_space<vmem>>
      %dma_start3A_189 = arith.constant 0 : i32
      %dma_start3A_190 = tpu.memref_slice %arg4[%multiple_of3A_167, %dma_start3A_189] : memref<819200x64xf32, #tpu.memory_space<hbm>> -> memref<512x64xf32, #tpu.memory_space<hbm>>
      %dma_start3A_191 = tpu.memref_slice %arg9[%dma_start3A_184] : memref<2x!tpu.dma_semaphore, #tpu.memory_space<semaphore_mem>> -> memref<1x!tpu.dma_semaphore, #tpu.memory_space<semaphore_mem>>
      %dma_start3A_192 = tpu.memref_squeeze %dma_start3A_191 : memref<1x!tpu.dma_semaphore, #tpu.memory_space<semaphore_mem>> -> memref<!tpu.dma_semaphore, #tpu.memory_space<semaphore_mem>>
      %dma_start3A_193 = arith.constant 0 : i32
      %dma_start3A_194 = tpu.memref_slice %arg4[%multiple_of3A_167, %dma_start3A_193] : memref<819200x64xf32, #tpu.memory_space<hbm>> -> memref<512x64xf32, #tpu.memory_space<hbm>>
      %dma_start3A_195 = arith.constant 0 : i32
      %dma_start3A_196 = arith.constant 0 : i32
      %dma_start3A_197 = tpu.memref_slice %arg6[%dma_start3A_183, %dma_start3A_195, %dma_start3A_196] : memref<2x512x64xf32, #tpu.memory_space<vmem>> -> memref<1x512x64xf32, #tpu.memory_space<vmem>>
      %dma_start3A_198 = tpu.memref_squeeze %dma_start3A_197 : memref<1x512x64xf32, #tpu.memory_space<vmem>> -> memref<512x64xf32, #tpu.memory_space<vmem>>
      tpu.enqueue_dma source(%dma_start3A_198 : memref<512x64xf32, #tpu.memory_space<vmem>>) target(%dma_start3A_194 : memref<512x64xf32, #tpu.memory_space<hbm>>) target_semaphore(%dma_start3A_192 : memref<!tpu.dma_semaphore, #tpu.memory_space<semaphore_mem>>)
    }
    %scan3A_7 = arith.constant 25 : i32
    %dma_wait3A = arith.constant 0 : i32
    %dma_wait3A_8 = arith.constant 0 : i32
    %dma_wait3A_9 = arith.constant 0 : i32
    %dma_wait3A_10 = arith.constant 0 : i32
    %dma_wait3A_11 = tpu.memref_slice %arg6[%dma_wait3A, %dma_wait3A_9, %dma_wait3A_10] : memref<2x512x64xf32, #tpu.memory_space<vmem>> -> memref<1x512x64xf32, #tpu.memory_space<vmem>>
    %dma_wait3A_12 = tpu.memref_squeeze %dma_wait3A_11 : memref<1x512x64xf32, #tpu.memory_space<vmem>> -> memref<512x64xf32, #tpu.memory_space<vmem>>
    %dma_wait3A_13 = arith.constant 0 : i32
    %dma_wait3A_14 = arith.constant 0 : i32
    %dma_wait3A_15 = tpu.memref_slice %arg4[%dma_wait3A_13, %dma_wait3A_14] : memref<819200x64xf32, #tpu.memory_space<hbm>> -> memref<512x64xf32, #tpu.memory_space<hbm>>
    %dma_wait3A_16 = tpu.memref_slice %arg9[%dma_wait3A_8] : memref<2x!tpu.dma_semaphore, #tpu.memory_space<semaphore_mem>> -> memref<1x!tpu.dma_semaphore, #tpu.memory_space<semaphore_mem>>
    %dma_wait3A_17 = tpu.memref_squeeze %dma_wait3A_16 : memref<1x!tpu.dma_semaphore, #tpu.memory_space<semaphore_mem>> -> memref<!tpu.dma_semaphore, #tpu.memory_space<semaphore_mem>>
    %dma_wait3A_18 = arith.constant 0 : i32
    %dma_wait3A_19 = arith.constant 0 : i32
    %dma_wait3A_20 = tpu.memref_slice %arg4[%dma_wait3A_18, %dma_wait3A_19] : memref<819200x64xf32, #tpu.memory_space<hbm>> -> memref<512x64xf32, #tpu.memory_space<hbm>>
    %dma_wait3A_21 = arith.constant 0 : i32
    %dma_wait3A_22 = arith.constant 0 : i32
    %dma_wait3A_23 = tpu.memref_slice %arg6[%dma_wait3A, %dma_wait3A_21, %dma_wait3A_22] : memref<2x512x64xf32, #tpu.memory_space<vmem>> -> memref<1x512x64xf32, #tpu.memory_space<vmem>>
    %dma_wait3A_24 = tpu.memref_squeeze %dma_wait3A_23 : memref<1x512x64xf32, #tpu.memory_space<vmem>> -> memref<512x64xf32, #tpu.memory_space<vmem>>
    tpu.wait_dma2 semaphore(%dma_wait3A_17 : memref<!tpu.dma_semaphore, #tpu.memory_space<semaphore_mem>>) src(%dma_wait3A_24 : memref<512x64xf32, #tpu.memory_space<vmem>>) dst(%dma_wait3A_20 : memref<512x64xf32, #tpu.memory_space<hbm>>)
    %dma_wait3A_25 = arith.constant 1 : i32
    %dma_wait3A_26 = arith.constant 1 : i32
    %dma_wait3A_27 = arith.constant 0 : i32
    %dma_wait3A_28 = arith.constant 0 : i32
    %dma_wait3A_29 = tpu.memref_slice %arg6[%dma_wait3A_25, %dma_wait3A_27, %dma_wait3A_28] : memref<2x512x64xf32, #tpu.memory_space<vmem>> -> memref<1x512x64xf32, #tpu.memory_space<vmem>>
    %dma_wait3A_30 = tpu.memref_squeeze %dma_wait3A_29 : memref<1x512x64xf32, #tpu.memory_space<vmem>> -> memref<512x64xf32, #tpu.memory_space<vmem>>
    %dma_wait3A_31 = arith.constant 0 : i32
    %dma_wait3A_32 = arith.constant 0 : i32
    %dma_wait3A_33 = tpu.memref_slice %arg4[%dma_wait3A_31, %dma_wait3A_32] : memref<819200x64xf32, #tpu.memory_space<hbm>> -> memref<512x64xf32, #tpu.memory_space<hbm>>
    %dma_wait3A_34 = tpu.memref_slice %arg9[%dma_wait3A_26] : memref<2x!tpu.dma_semaphore, #tpu.memory_space<semaphore_mem>> -> memref<1x!tpu.dma_semaphore, #tpu.memory_space<semaphore_mem>>
    %dma_wait3A_35 = tpu.memref_squeeze %dma_wait3A_34 : memref<1x!tpu.dma_semaphore, #tpu.memory_space<semaphore_mem>> -> memref<!tpu.dma_semaphore, #tpu.memory_space<semaphore_mem>>
    %dma_wait3A_36 = arith.constant 0 : i32
    %dma_wait3A_37 = arith.constant 0 : i32
    %dma_wait3A_38 = tpu.memref_slice %arg4[%dma_wait3A_36, %dma_wait3A_37] : memref<819200x64xf32, #tpu.memory_space<hbm>> -> memref<512x64xf32, #tpu.memory_space<hbm>>
    %dma_wait3A_39 = arith.constant 0 : i32
    %dma_wait3A_40 = arith.constant 0 : i32
    %dma_wait3A_41 = tpu.memref_slice %arg6[%dma_wait3A_25, %dma_wait3A_39, %dma_wait3A_40] : memref<2x512x64xf32, #tpu.memory_space<vmem>> -> memref<1x512x64xf32, #tpu.memory_space<vmem>>
    %dma_wait3A_42 = tpu.memref_squeeze %dma_wait3A_41 : memref<1x512x64xf32, #tpu.memory_space<vmem>> -> memref<512x64xf32, #tpu.memory_space<vmem>>
    tpu.wait_dma2 semaphore(%dma_wait3A_35 : memref<!tpu.dma_semaphore, #tpu.memory_space<semaphore_mem>>) src(%dma_wait3A_42 : memref<512x64xf32, #tpu.memory_space<vmem>>) dst(%dma_wait3A_38 : memref<512x64xf32, #tpu.memory_space<hbm>>)
    return
  }
}

module attributes {stable_mosaic.version = 14 : i64} {
  func.func @_transpose_kernel(%arg0: i32, %arg1: i32, %arg2: memref<512x512xf32, #tpu.memory_space<vmem>>, %arg3: memref<512x512xf32, #tpu.memory_space<vmem>>) attributes {dimension_semantics = [#tpu.dimension_semantics<arbitrary>, #tpu.dimension_semantics<arbitrary>], iteration_bounds = array<i64: 8, 25>, scalar_prefetch = 0 : i64, scratch_operands = 0 : i64, tpu.core_type = #tpu.core_type<tc>, window_params = [{transform_indices = @transform_0, window_bounds = array<i64: 512, 512>}, {transform_indices = @transform_1, window_bounds = array<i64: 512, 512>}]} {
    %get3A = arith.constant 0 : index
    %get3A_0 = arith.constant 0 : index
    %get3A_1 = vector.load %arg2[%get3A, %get3A_0] : memref<512x512xf32, #tpu.memory_space<vmem>>, vector<512x512xf32>
    %transpose3A = tpu.transpose %get3A_1, [1, 0] : vector<512x512xf32> -> vector<512x512xf32>
    %swap3A = arith.constant 0 : index
    %swap3A_2 = arith.constant 0 : index
    %swap3A_3 = vector.load %arg3[%swap3A, %swap3A_2] : memref<512x512xf32, #tpu.memory_space<vmem>>, vector<512x512xf32>
    tpu.vector_store %arg3[%swap3A, %swap3A_2], %transpose3A {strides = array<i32>} : memref<512x512xf32, #tpu.memory_space<vmem>>, vector<512x512xf32>,
    return
  }
  func.func @transform_0(%arg0: i32, %arg1: i32) -> (i32, i32) {
    %c0_i32 = arith.constant 0 : i32
    return %arg0, %arg1 : i32, i32
  }
  func.func @transform_1(%arg0: i32, %arg1: i32) -> (i32, i32) {
    %c0_i32 = arith.constant 0 : i32
    return %arg1, %arg0 : i32, i32
  }
}

</mosaic_0001>

<sc_bundles>
// kernel: _run.4.cloned.1.call-start
scs
__scs_entry_jumppad:
0x0: {  	(pc) =	sbr.rel $0x88, $3  }
0x1: {  	(tag) =	ssettag $0x0;
	lr =	simm.s32 $0x1  }
0x2: {  	[smem:$0x3F9F] =	sst lr;
	_ =	strace $0xD0000000  }
0x3: {  	_ = 	snop  }
0x4: {  	_ = 	snop  }
0x5: {  	_ = 	snop  }
0x6: {  	_ = 	snop  }
0x7: {  	_ = 	snop  }
__scs_overlays_trampoline_lowered:
0x8: {  	[smem:$0x3FAE] =	sst s0  }
0x9: {  	[smem:$0x3FAF] =	sst s1  }
0xa: {  	[smem:$0x3FB0] =	sst s2  }
0xb: {  	[smem:$0x3FB1] =	sst s3  }
0xc: {  	[smem:$0x3FB2] =	sst s4  }
0xd: {  	[smem:$0x3FB3] =	sst s5  }
0xe: {  	[smem:$0x3FB4] =	sst s6  }
0xf: {  	[smem:$0x3FB5] =	sst s7  }
0x10: {  	[smem:$0x3FB6] =	sst s8  }
0x11: {  	[smem:$0x3FB7] =	sst s9;
	s0 =	simm.s32 @!p0 $0x0  }
0x12: {  	s1 =	sld [smem:$0x3F9D];
	s0 =	simm.s32 @p0 $0x1  }
0x13: {  	[smem:$0x3FB8] =	sst s0;
	s0 =	simm.s32 @!p1 $0x0  }
0x14: {  	s2 =	sld [smem:$0x3F9C];
	s0 =	simm.s32 @p1 $0x1  }
0x15: {  	[smem:$0x3FB9] =	sst s0;
	s0 =	simm.s32 @!p2 $0x0  }
0x16: {  	s3 =	sld [smem:$0x3FDB];
	s0 =	simm.s32 @p2 $0x1  }
0x17: {  	s4 =	simm.s32 $0x1BF5;
	[smem:$0x3FBB] =	sst s0  }
0x18: {  	s0 =	sld [smem:$0x3F9E];
	_ =	swait.ge [sflag:s4], $0x0  }
0x19: {  	s7 =	sld [smem:$0x3F9F]  }
0x1a: {  	s8 =	sadd.s32 $0xFFFFE003, lr  }
0x1b: {  	s9 =	sadd.s32 $0xFFFFFEF7, lr;
	s5 =	simm.s32 $0xFFFFFFFF;
	p2 =	slt.u32 s8, $0xFFFFF086  }
0x1c: {  	p1 =	slt.u32 s9, $0xF7A;
	s5 =	simm.s32 @!p2 $0x0  }
0x1d: {  	s5 =	simm.s32 @p1 $0x1;
	p0 =	seq.s32 s7, s2  }
0x1e: {  	s7 =	smul.u32 @!p0 $0xF7A, s2;
	p2 =	seq.s32 @!p0 s5, $0x0  }
0x1f: {  	s9 =	smul.u32 $0xF7A, s1;
	s8 =	simm.s32 @!p0 $0x1BF5;
	p2 =	por !p2, p0  }
0x20: {  	[sflag:s8] =	ssyncset.s32 @!p0 $0xFFFFF086;
	s6 =	sadd.s32 @!p0 s3, s7;
	s7 =	simm.s32 @!p0 $0x108  }
0x21: {  	s3 =	sadd.s32 s3, s9;
	s6 =	sadd.s32 @!p0 $0x88, s6;
	s7 =	simm.s32 @p2 $0x1082  }
0x22: {  	[simem:s7], [sflag:s8] =	dma.local @!p0 [hbm:s6], $0xF7A  }
0x23: {  	s9 =	sor.u32 $0xD0000000, s2;
	s6 =	simm.s32 $0x108;
	_ =	swait.ge @!p0 [sflag:s8], $0x0  }
0x24: {  	s3 =	sadd.s32 $0x88, s3;
	s6 =	simm.s32 @!p1 $0x1082;
	[sflag:s4] =	ssyncset.s32 $0xFFFFF086  }
0x25: {  	[simem:s6], [sflag:s4] =	dma.local [hbm:s3], $0xF7A  }
0x26: {  	[smem:$0x3F9F] =	sst s1;
	(tag) =	ssettag s2;
	_ =	strace s9  }
0x27: {  	s1 =	sld [smem:$0x3FAF]  }
0x28: {  	s2 =	sld [smem:$0x3FB0]  }
0x29: {  	s4 =	sld [smem:$0x3FB2]  }
0x2a: {  	p0 =	seq.s32 s5, $0x0;
	s5 =	sld [smem:$0x3FB3]  }
0x2b: {  	s6 =	sld [smem:$0x3FB4]  }
0x2c: {  	s7 =	sld [smem:$0x3FB5]  }
0x2d: {  	s3 =	simm.s32 $0x108;
	s8 =	sld [smem:$0x3FB6]  }
0x2e: {  	s3 =	simm.s32 @!p0 $0x1082;
	s9 =	sld [smem:$0x3FB7]  }
0x2f: {  	lr =	sadd.s32 s0, s3;
	s0 =	sld [smem:$0x3FAE]  }
0x30: {  	s3 =	sld [smem:$0x3FB1]  }
0x31: {  	[smem:$0x3FBA] =	sst s10  }
0x32: {  	s10 =	sld [smem:$0x3FB8];
	_ =	sdelay $0x3  }
0x33: {  	p0 =	seq.s32 s10, $0x1;
	s10 =	sld [smem:$0x3FBA];
	_ =	sdelay $0x3  }
0x34: {  	[smem:$0x3FBA] =	sst s10  }
0x35: {  	s10 =	sld [smem:$0x3FB9];
	_ =	sdelay $0x3  }
0x36: {  	p1 =	seq.s32 s10, $0x1;
	s10 =	sld [smem:$0x3FBA];
	_ =	sdelay $0x3  }
0x37: {  	[smem:$0x3FBA] =	sst s10  }
0x38: {  	s10 =	sld [smem:$0x3FBB]  }
0x39: {  	_ = 	snop;
	(pc) =	sbr.ind lr, $3  }
0x3a: {  	_ = 	snop  }
0x3b: {  	_ = 	snop  }
0x3c: {  	p2 =	seq.s32 s10, $0x1;
	s10 =	sld [smem:$0x3FBA]  }
0x3d: {  	_ =	shalt  }
0x3e: {  	_ =	shalt  }
0x3f: {  	_ =	shalt  }
0x40: {  	_ =	shalt  }
0x41: {  	_ =	shalt  }
0x42: {  	_ =	shalt  }
0x43: {  	_ =	shalt  }
0x44: {  	_ =	shalt  }
0x45: {  	_ =	shalt  }
0x46: {  	_ =	shalt  }
0x47: {  	_ =	shalt  }
0x48: {  	_ =	shalt  }
0x49: {  	_ =	shalt  }
0x4a: {  	_ =	shalt  }
0x4b: {  	_ =	shalt  }
0x4c: {  	_ =	shalt  }
0x4d: {  	_ =	shalt  }
0x4e: {  	_ =	shalt  }
0x4f: {  	_ =	shalt  }
0x50: {  	_ =	shalt  }
0x51: {  	_ =	shalt  }
0x52: {  	_ =	shalt  }
0x53: {  	_ =	shalt  }
0x54: {  	_ =	shalt  }
0x55: {  	_ =	shalt  }
0x56: {  	_ =	shalt  }
0x57: {  	_ =	shalt  }
0x58: {  	_ =	shalt  }
0x59: {  	_ =	shalt  }
0x5a: {  	_ =	shalt  }
0x5b: {  	_ =	shalt  }
0x5c: {  	_ =	shalt  }
0x5d: {  	_ =	shalt  }
0x5e: {  	_ =	shalt  }
0x5f: {  	_ =	shalt  }
0x60: {  	_ =	shalt  }
0x61: {  	_ =	shalt  }
0x62: {  	_ =	shalt  }
0x63: {  	_ =	shalt  }
0x64: {  	_ =	shalt  }
0x65: {  	_ =	shalt  }
0x66: {  	_ =	shalt  }
0x67: {  	_ =	shalt  }
0x68: {  	_ =	shalt  }
0x69: {  	_ =	shalt  }
0x6a: {  	_ =	shalt  }
0x6b: {  	_ =	shalt  }
0x6c: {  	_ =	shalt  }
0x6d: {  	_ =	shalt  }
0x6e: {  	_ =	shalt  }
0x6f: {  	_ =	shalt  }
0x70: {  	_ =	shalt  }
0x71: {  	_ =	shalt  }
0x72: {  	_ =	shalt  }
0x73: {  	_ =	shalt  }
0x74: {  	_ =	shalt  }
0x75: {  	_ =	shalt  }
0x76: {  	_ =	shalt  }
0x77: {  	_ =	shalt  }
0x78: {  	_ =	shalt  }
0x79: {  	_ =	shalt  }
0x7a: {  	_ =	shalt  }
0x7b: {  	_ =	shalt  }
0x7c: {  	_ =	shalt  }
0x7d: {  	_ =	shalt  }
0x7e: {  	_ =	shalt  }
0x7f: {  	_ =	shalt  }
0x80: {  	_ =	shalt  }
0x81: {  	_ =	shalt  }
0x82: {  	_ =	shalt  }
0x83: {  	_ =	shalt  }
0x84: {  	_ =	shalt  }
0x85: {  	_ =	shalt  }
0x86: {  	_ =	shalt  }
0x87: {  	_ =	shalt  }
.Lfunc_end0:
.L_simem_size_0:
called_computation_lowered:
.L_overlay_start_0:
0x88: {  	s2 =	sld [smem:$0x3FD9]  }
0x89: {  	s3 =	sld [smem:$0x3FFE];
	_ =	sdelay $0x1  }
0x8a: {  	s1 =	srdreg.scid  }
0x8b: {  	s0 =	sand.u32 $0x1, s1  }
0x8c: {  	s17 =	sshll.u32 s0, $0xA;
	s2 =	sadd.s32 s3, s2  }
0x8d: {  	s2 =	sadd.s32 s2, s17  }
0x8e: {  	[smem:$0x3FC6] =	sst s2  }
0x8f: {  	_ = 	snop  }
0x90: {  	s2 =	sld [smem:$0x3FD0];
	(tm) =	ssettm $0x1  }
0x91: {  	s18 =	sld [smem:$0x3FFB];
	_ =	sdelay $0x3  }
0x92: {  	_ =	strace s18  }
0x93: {  	s3 =	sld [smem:$0x3FFC];
	_ =	sdelay $0x3  }
0x94: {  	_ =	strace s3  }
0x95: {  	s3 =	sld [smem:$0x3FFD];
	_ =	sdelay $0x3  }
0x96: {  	_ =	strace s3  }
0x97: {  	_ =	strace $0x8FFFFFFF  }
0x98: {  	s19 =	sld [smem:$0x3FDB];
	_ =	sdelay $0x1  }
0x99: {  	s4 =	simm.s32 $_scs_section_size  }
0x9a: {  	s5 =	simm.s32 $_size__tile_overlayer_lowered;
	s6 =	simm.s32 $_tile_overlayer_lowered  }
0x9b: {  	s22 =	simm.s32 $0x1BFF;
	s21 =	sshll.u32 s6, $0x1;
	s3 =	sadd.s32 s4, s19  }
0x9c: {  	s7 =	simm.s32 $0x0;
	s20 =	sshll.u32 s5, $0x1;
	s5 =	sadd.s32 s21, s3  }
0x9d: {  	[timem:s7], [sflag:s22] =	dma.local [hbm:s5], s20  }
0x9e: {  	_ =	swait.ge [sflag:s22], s20  }
0x9f: {  	s4 =	ssub.s32 $0x0, s20;
	[sflag:s22] =	ssyncset.done $0x0  }
0xa0: {  	[sflag:s22] =	ssyncadd.s32 s4;
	_ =	sdelay $0x1  }
0xa1: {  	s23 =	simm.s32 $0x1B8B  }
0xa2: {  	_ =	swait.ge [sflag:s23], $0x1  }
0xa3: {  	[sflag:s23] =	ssyncset.done $0x0  }
0xa4: {  	s25 =	simm.s32 $0x1B8E;
	s24 =	sld [smem:$0x3FFE];
	[sflag:s23] =	ssyncadd.s32 $0xFFFFFFFF  }
0xa5: {  	s26 =	simm.s32 $execute0_lowered;
	[smem:$0x3FD2] =	sst s25  }
0xa6: {  	s5 =	sshll.u32 s26, $0x1;
	_ =	strace $0x80000046;
	[dreg:$0x1] =	wrdreg $0xFFFFFFFF  }
0xa7: {  	s28 =	simm.s32 $_size_execute0_lowered;
	s3 =	sadd.s32 s3, s5;
	[dreg:$0x0] =	wrdreg $0x0  }
0xa8: {  	s5 =	sshll.u32 s28, $0x1;
	[dreg:$0x2] =	wrdreg s3  }
0xa9: {  	[dreg:$0x3] =	wrdreg s5  }
0xaa: {  	[dreg:$0x4] =	wrdreg $0xC0  }
0xab: {  	_ =	task [dreg:s7], $0x5FFFF  }
0xac: {  	[dreg:$0x1] =	wrdreg $0xFFFFFFFF  }
0xad: {  	[dreg:$0x0] =	wrdreg $0x60  }
0xae: {  	[dreg:$0x2] =	wrdreg s24  }
0xaf: {  	[dreg:$0x3] =	wrdreg s2  }
0xb0: {  	[dreg:$0x4] =	wrdreg $0x9  }
0xb1: {  	_ =	task.clear_ibuf [dreg:s7], $0x5FFFF;
	_ =	strace $0x90000046  }
0xb2: {  	s29 =	simm.s32 $0x9;
	_ =	strace $0x80000048  }
0xb3: {  	_ =	swait.ge [sflag:s29], $0x1  }
0xb4: {  	[sflag:s29] =	ssyncadd.s32 $0xFFFFFFFF  }
0xb5: {  	_ =	strace $0x90000048  }
0xb6: {  	_ =	sfence  }
0xb7: {  	s30 =	sld [smem:$0x0];
	_ =	sdelay $0x2  }
0xb8: {  	s31 =	sshll.u32 s1, $0xD;
	s1 =	sshrl.u32 s1, $0x2  }
0xb9: {  	s3 =	sand.u32 $0x4000, s31;
	s1 =	sadd.s32 s1, s30  }
0xba: {  	s0 =	sor.u32 s3, s0;
	s1 =	sshll.u32 s1, $0x11  }
0xbb: {  	s0 =	sor.u32 s1, s0  }
0xbc: {  	s0 =	sadd.s32 $0x8F2B, s0  }
0xbd: {  	[sflag:s0] =	ssyncadd.remote.s32 $0x1  }
0xbe: {  	_ =	sfence.sel $0xFFFF  }
0xbf: {  	[dreg:$0x0] =	wrdreg $0xFFFFFFFF;
	(pc) =	sbr.abs _section_cstart, $3  }
0xc0: {  	[dreg:$0x1] =	wrdreg $0xFFFFFFFF  }
0xc1: {  	_ =	task.clear_ibuf [dreg:s7], $0x2FFFF;
	_ =	strace $0x9FFFFFFF  }
0xc2: {  	(tm) =	ssettm $0x7FFFFFFF  }
0xc3: {  	_ =	shalt  }
tec
execute0_lowered:
.L_overlay_start_1:
0x0: {  	(tag) =	ssettag $0x1  }
0x1: {  	s4 =	rddreg [dreg:$0x0]  }
0x2: {  	s11 =	rddreg [dreg:$0x1]  }
0x3: {  	s0 =	rddreg [dreg:$0x2]  }
0x4: {  	s2 =	simm.s32 $0x0;
	s3 =	srdreg.scid;
	s1 =	stileid.u32  }
0x5: {  	s16 =	simm.s32 $0x400;
	s17 =	simm.s32 $0x2;
	s18 =	simm.s32 $0x8400  }
0x6: {  	s19 =	simm.s32 $0x3;
	s20 =	simm.s32 $0x4;
	s21 =	simm.s32 $0x5  }
0x7: {  	s22 =	simm.s32 $0x6;
	[smem:$0x7FF] =	sst s2;
	s13 =	smul.u32 $0xC800, s1  }
0x8: {  	s9 =	sand.u32 $0x1, s3;
	s23 =	sshll.u32 s1, $0x1;
	s15 =	smul.u32 $0x64000, s1  }
0x9: {  	s3 =	sadd.s32 $0x19400, s4;
	s4 =	sadd.s32 $0x400, s4;
	s14 =	smul.u32 $0x6400, s9  }
0xa: {  	_ =	strace $0x80000047;
	s6 =	sor.u32 s9, s23;
	s26 =	smul.u32 $0x32000, s9  }
0xb: {  	s5 =	ssub.s32 $0x2, s9;
	s23 =	simm.s32 $0x0;
	s8 =	smul.u32 $0x6400, s6  }
0xc: {  	s7 =	sshrl.u32 s5, $0x1;
	s10 =	smul.u32 $0x32000, s6;
	s29 =	sadd.s32 s15, s11  }
0xd: {  	s15 =	simm.s32 $0x1;
	s5 =	ssub.s32 s5, s7;
	s13 =	sadd.s32 s14, s13  }
0xe: {  	s5 =	smax.u32 s5, $0x1;
	s12 =	sor.u32 $0x200, s8;
	s24 =	sshrl.u32 s8, $0x3  }
0xf: {  	s8 =	sadd.s32 s11, s10;
	s14 =	sadd.s32 $0x600, s13;
	s10 =	sadd.s32 s26, s29  }
0x10: {  	s13 =	sadd.s32 $0x400, s13;
	s25 =	sshrl.u32 s12, $0x3;
	s6 =	sadd.s32 s4, s24  }
0x11: {  	s28 =	sshll.u32 s12, $0x3;
	s30 =	sshll.u32 s14, $0x3;
	s10 =	sadd.s32 $0x2000, s10  }
0x12: {  	s31 =	sshrl.u32 s14, $0x3;
	s14 =	simm.s32 $0x200;
	s7 =	sadd.s32 s4, s25  }
0x13: {  	s9 =	sadd.s32 s11, s28;
	s11 =	sadd.s32 s30, s11;
	s12 =	sadd.s32 s31, s4  }
.LBB2_1:
0x14: {  	[tilespmem:s2], [sflag:$0x1] =	stream.linear.gather [hbm4b:s6+s2], $0x200, $0x38;
	[tilespmem:$0x10400] =	vst v63  }
0x15: {  	_ = 	snop  }
0x16: {  	[tilespmem:s14], [sflag:$0x2] =	stream.linear.gather [hbm4b:s7+s2], $0x200, $0x38;
	[tilespmem:$0x10400] =	vst v63  }
0x17: {  	_ =	swait.ge [sflag:s15], $0x200  }
0x18: {  	[sflag:s15] =	ssyncset.done $0x0  }
0x19: {  	[sflag:s15] =	ssyncadd.s32 $0xFFFFFE00  }
0x1a: {  	[tilespmem:s16], [sflag:$0x3] =	stream.indirect.gather [hbm4b:s3+s14], $0x40, s2, s14, $0xb8;
	[tilespmem:$0x10400] =	vst v63  }
0x1b: {  	_ =	swait.ge [sflag:s17], $0x200  }
0x1c: {  	[sflag:s17] =	ssyncset.done $0x0  }
0x1d: {  	[sflag:s17] =	ssyncadd.s32 $0xFFFFFE00  }
0x1e: {  	[tilespmem:s18], [sflag:$0x4] =	stream.indirect.gather [hbm4b:s3+s14], $0x40, s14, s14, $0xb8;
	[tilespmem:$0x10400] =	vst v63  }
0x1f: {  	_ =	swait.ge [sflag:s19], $0x8000  }
0x20: {  	[sflag:s19] =	ssyncset.done $0x0  }
0x21: {  	[sflag:s19] =	ssyncadd.s32 $0xFFFF8000  }
0x22: {  	[hbm4b:s8+s2] =	stream.linear.scatter [tilespmem:s16], [sflag:$0x5], $0x8000, $0x38;
	[tilespmem:$0x10400] =	vst v63  }
0x23: {  	_ =	swait.ge [sflag:s20], $0x8000  }
0x24: {  	[sflag:s20] =	ssyncset.done $0x0  }
0x25: {  	[sflag:s20] =	ssyncadd.s32 $0xFFFF8000  }
0x26: {  	[hbm4b:s9+s2] =	stream.linear.scatter [tilespmem:s18], [sflag:$0x6], $0x8000, $0x38;
	[tilespmem:$0x10400] =	vst v63  }
0x27: {  	_ =	swait.ge [sflag:s21], $0x8000  }
0x28: {  	[sflag:s21] =	ssyncset.done $0x0  }
0x29: {  	[sflag:s21] =	ssyncadd.s32 $0xFFFF8000  }
0x2a: {  	_ =	swait.ge [sflag:s22], $0x8000  }
0x2b: {  	s24 =	sshrl.u32 s13, $0x3;
	[sflag:s22] =	ssyncset.done $0x0  }
0x2c: {  	s24 =	sadd.s32 s4, s24;
	[sflag:s22] =	ssyncadd.s32 $0xFFFF8000  }
0x2d: {  	[tilespmem:s2], [sflag:$0x1] =	stream.linear.gather [hbm4b:s24+s2], $0x200, $0x38;
	[tilespmem:$0x10400] =	vst v63  }
0x2e: {  	_ = 	snop  }
0x2f: {  	[tilespmem:s14], [sflag:$0x2] =	stream.linear.gather [hbm4b:s12+s2], $0x200, $0x38;
	[tilespmem:$0x10400] =	vst v63  }
0x30: {  	_ =	swait.ge [sflag:s15], $0x200  }
0x31: {  	[sflag:s15] =	ssyncset.done $0x0  }
0x32: {  	[sflag:s15] =	ssyncadd.s32 $0xFFFFFE00  }
0x33: {  	[tilespmem:s16], [sflag:$0x3] =	stream.indirect.gather [hbm4b:s3+s14], $0x40, s2, s14, $0xb8;
	[tilespmem:$0x10400] =	vst v63  }
0x34: {  	_ =	swait.ge [sflag:s17], $0x200  }
0x35: {  	[sflag:s17] =	ssyncset.done $0x0  }
0x36: {  	[sflag:s17] =	ssyncadd.s32 $0xFFFFFE00  }
0x37: {  	[tilespmem:s18], [sflag:$0x4] =	stream.indirect.gather [hbm4b:s3+s14], $0x40, s14, s14, $0xb8;
	[tilespmem:$0x10400] =	vst v63  }
0x38: {  	_ =	swait.ge [sflag:s19], $0x8000  }
0x39: {  	[sflag:s19] =	ssyncset.done $0x0  }
0x3a: {  	s31 =	sadd.s32 $0x0, s10;
	[sflag:s19] =	ssyncadd.s32 $0xFFFF8000  }
0x3b: {  	[hbm4b:s31+s2] =	stream.linear.scatter [tilespmem:s16], [sflag:$0x5], $0x8000, $0x38;
	[tilespmem:$0x10400] =	vst v63  }
0x3c: {  	_ =	swait.ge [sflag:s20], $0x8000  }
0x3d: {  	s25 =	sadd.s32 $0x400, s13;
	s28 =	sadd.s32 $0x0, s11;
	[sflag:s20] =	ssyncset.done $0x0  }
0x3e: {  	s26 =	sadd.s32 $0x80, s12;
	s24 =	simm.s32 $0x2000;
	[sflag:s20] =	ssyncadd.s32 $0xFFFF8000  }
.LBB2_2:
0x3f: {  	[hbm4b:s28+s2] =	stream.linear.scatter [tilespmem:s18], [sflag:$0x6], $0x8000, $0x38;
	[tilespmem:$0x10400] =	vst v63  }
0x40: {  	s28 =	smov.u32 s24  }
0x41: {  	p0 =	sne.s32 s24, $0x2E000;
	s24 =	sadd.s32 $0x2000, s24;
	_ =	swait.ge [sflag:s21], $0x8000  }
0x42: {  	[sflag:s21] =	ssyncset.done $0x0  }
0x43: {  	[sflag:s21] =	ssyncadd.s32 $0xFFFF8000  }
0x44: {  	_ =	swait.ge [sflag:s22], $0x8000  }
0x45: {  	s29 =	sshrl.u32 s25, $0x3;
	[sflag:s22] =	ssyncset.done $0x0  }
0x46: {  	s29 =	sadd.s32 s4, s29;
	[sflag:s22] =	ssyncadd.s32 $0xFFFF8000  }
0x47: {  	[tilespmem:s2], [sflag:$0x1] =	stream.linear.gather [hbm4b:s29+s2], $0x200, $0x38;
	[tilespmem:$0x10400] =	vst v63  }
0x48: {  	_ = 	snop  }
0x49: {  	[tilespmem:s14], [sflag:$0x2] =	stream.linear.gather [hbm4b:s26+s2], $0x200, $0x38;
	[tilespmem:$0x10400] =	vst v63  }
0x4a: {  	_ =	swait.ge [sflag:s15], $0x200  }
0x4b: {  	[sflag:s15] =	ssyncset.done $0x0  }
0x4c: {  	[sflag:s15] =	ssyncadd.s32 $0xFFFFFE00  }
0x4d: {  	[tilespmem:s16], [sflag:$0x3] =	stream.indirect.gather [hbm4b:s3+s14], $0x40, s2, s14, $0xb8;
	[tilespmem:$0x10400] =	vst v63  }
0x4e: {  	_ =	swait.ge [sflag:s17], $0x200  }
0x4f: {  	[sflag:s17] =	ssyncset.done $0x0  }
0x50: {  	[sflag:s17] =	ssyncadd.s32 $0xFFFFFE00  }
0x51: {  	[tilespmem:s18], [sflag:$0x4] =	stream.indirect.gather [hbm4b:s3+s14], $0x40, s14, s14, $0xb8;
	[tilespmem:$0x10400] =	vst v63  }
0x52: {  	_ =	swait.ge [sflag:s19], $0x8000  }
0x53: {  	[sflag:s19] =	ssyncset.done $0x0  }
.Ltmp0:
0x54: {  	s29 =	sadd.s32 s28, s10;
	[sflag:s19] =	ssyncadd.s32 $0xFFFF8000;
	(pc) =	sbr.rel @p0 .LBB2_2-.Ltmp0, $4  }
0x55: {  	[hbm4b:s29+s2] =	stream.linear.scatter [tilespmem:s16], [sflag:$0x5], $0x8000, $0x38;
	[tilespmem:$0x10400] =	vst v63  }
0x56: {  	_ =	swait.ge [sflag:s20], $0x8000  }
0x57: {  	s25 =	sadd.s32 $0x400, s25;
	[sflag:s20] =	ssyncset.done $0x0  }
0x58: {  	s28 =	sadd.s32 s28, s11;
	s26 =	sadd.s32 $0x80, s26;
	[sflag:s20] =	ssyncadd.s32 $0xFFFF8000  }
0x59: {  	[hbm4b:s28+s2] =	stream.linear.scatter [tilespmem:s18], [sflag:$0x6], $0x8000, $0x38;
	[tilespmem:$0x10400] =	vst v63  }
0x5a: {  	s23 =	sadd.s32 $0x1, s23  }
0x5b: {  	_ =	swait.ge [sflag:s21], $0x8000;
	p0 =	sne.s32 s23, s5  }
.Ltmp1:
0x5c: {  	[sflag:s21] =	ssyncset.done $0x0;
	(pc) =	sbr.rel @p0 .LBB2_1-.Ltmp1, $4  }
0x5d: {  	[sflag:s21] =	ssyncadd.s32 $0xFFFF8000  }
0x5e: {  	_ =	swait.ge [sflag:s22], $0x8000  }
0x5f: {  	[sflag:s22] =	ssyncset.done $0x0  }
0x60: {  	[sflag:s22] =	ssyncadd.s32 $0xFFFF8000  }
0x61: {  	_ =	sfence.sel $0x180000  }
0x62: {  	[bflag:$0x0] =	sbarrier.arrive $0xFFFF  }
0x63: {  	p0 =	sne.s32 s1, $0x0;
	_ =	strace $0x90000047  }
0x64: {  	s0 =	sadd.s32 @!p0 $0x100000, s0;
	[bflag:$0x2] =	sbarrier.arrive $0xFFFF  }
0x65: {  	[sflag:s0] =	ssyncadd.tile.s32 @!p0 $0x1;
	_ =	shalt  }
.Lfunc_end2:
_tile_overlayer_lowered:
.L_overlay_start_2:
0x66: {  	(tag) =	ssettag $0x2  }
0x67: {  	s0 =	rddreg [dreg:$0x0];
	s2 =	stileid.u32  }
0x68: {  	s1 =	rddreg [dreg:$0x1];
	p0 =	sne.s32 s2, $0x0  }
0x69: {  	s3 =	rddreg [dreg:$0x2];
	[bflag:$0x3] =	sbarrier.arrive $0xFFFF;
	s2 =	simm.s32 @!p0 $0x1C07  }
0x6a: {  	[timem:s3], [sflag:s2] =	dma.local @!p0 [hbm:s0], s1  }
0x6b: {  	s0 =	simm.s32 @!p0 $0x7  }
0x6c: {  	_ =	swait.ge @!p0 [sflag:s0], s1  }
0x6d: {  	s1 =	ssub.s32 @!p0 $0x0, s1;
	[sflag:s0] =	ssyncset.done @!p0 $0x0  }
0x6e: {  	[sflag:s0] =	ssyncadd.s32 @!p0 s1  }
0x6f: {  	[bflag:$0x3] =	sbarrier.arrive $0xFFFF  }
0x70: {  	_ =	shalt  }

</sc_bundles>
